<compile_context>
chip_gen: v7x
topology: tpu7x:2x2x1
jax: 0.10.2.dev20260603
libtpu: 0.0.44.dev20260713+nightly
codegen_flags: <defaults>
</compile_context>

<pallas_src>
import functools

import jax
import jax.numpy as jnp
from jax import lax
from jax.experimental import pallas as pl
from jax.experimental.pallas import tpu as pltpu
from jax.experimental.pallas import tpu_sc as plsc

G = 131072
C = 4
B = 128
OUT_ROWS = G + 1

NC = 2
NS = 16
NW = NC * NS
GPW = G // NW
CHUNK = 32
NCHUNK = GPW // CHUNK
LANES = 16


def _prod_body(node_hbm, cids_hbm, elm_hbm, out_hbm, idx_v, rows_v, out_v, gsem):
    wid = lax.axis_index("s") * NC + lax.axis_index("c")
    g0 = wid * GPW

    def chunk_body(k, carry):
        row0 = g0 + k * CHUNK
        pltpu.sync_copy(cids_hbm.at[pl.ds(row0 * C, CHUNK * C)], idx_v)
        pltpu.async_copy(node_hbm.at[idx_v], rows_v, gsem).wait()

        def group_body(i, carry2):
            r = i * C
            for j in range(B // LANES):
                cs = pl.ds(j * LANES, LANES)
                out_v[i, cs] = (rows_v[r, cs] + rows_v[r + 1, cs]
                                + rows_v[r + 2, cs] + rows_v[r + 3, cs])
            return carry2

        lax.fori_loop(0, CHUNK, group_body, 0)
        pltpu.sync_copy(out_v, out_hbm.at[pl.ds(row0, CHUNK)])
        return carry

    lax.fori_loop(0, NCHUNK, chunk_body, 0)

    @pl.when(wid == 0)
    def _copy_last_row():
        pltpu.sync_copy(elm_hbm.at[pl.ds(G, 1)], out_v.at[pl.ds(0, 1)])
        pltpu.sync_copy(out_v.at[pl.ds(0, 1)], out_hbm.at[pl.ds(G, 1)])


_prod = functools.partial(
    pl.kernel,
    out_type=jax.ShapeDtypeStruct((OUT_ROWS, B), jnp.float32),
    mesh=plsc.VectorSubcoreMesh(core_axis_name="c", subcore_axis_name="s"),
    scratch_types=[
        pltpu.VMEM((CHUNK * C,), jnp.int32),
        pltpu.VMEM((CHUNK * C, B), jnp.float32),
        pltpu.VMEM((CHUNK, B), jnp.float32),
        pltpu.SemaphoreType.DMA,
    ],
)(_prod_body)


def kernel(node_mars, element_mars, nids, cids):
    del nids
    cids_flat = cids.astype(jnp.int32).reshape(G * C)
    return _prod(node_mars, cids_flat, element_mars)

# --- scband reference (transcript-rebuilt; emitter-appended) ---
"""Pipeline reference for scband-prod-layer-69750268887705 (READ-ONLY COPY).

The authoritative reference and input builder live on the scoring server;
editing this copy changes nothing except your own understanding.
"""

import jax, jax.numpy as jnp
import numpy as np

NUM_NODES = 262144
MAX_NUM_ELS = 131073
N_GROUPS = 131072
NUM_CHS = 4
B = 128

def setup_inputs(seed: int = 0) -> dict:
    key = jax.random.key(seed)
    k1, k2 = jax.random.split(key, 2)
    node_mars = jax.random.normal(k1, (NUM_NODES, B), dtype=jnp.float32)
    element_mars = jnp.zeros((MAX_NUM_ELS, B), dtype=jnp.float32)
    # nids: one output element slot per product-node group (unique, like compiled PC layouts)
    nids = jnp.arange(N_GROUPS, dtype=jnp.int64)
    # cids: child node ids for each product node (fanin NUM_CHS)
    cids = jax.random.randint(k2, (N_GROUPS, NUM_CHS), 0, NUM_NODES, dtype=jnp.int64)
    return {"node_mars": node_mars, "element_mars": element_mars, "nids": nids, "cids": cids}

def reference(node_mars, element_mars, nids, cids):
    # Faithful to ProdLayer.forward with block_size == 1:
    #   element_mars[nids] = node_mars[cids].sum(dim=1)
    # (single forward partition; accum=False -> overwrite semantics)
    gathered = jnp.take(node_mars, cids, axis=0)      # [G, C, B]
    sums = gathered.sum(axis=1)                        # [G, B]
    out = element_mars.at[nids].set(sums)
    return out

if __name__ == "__main__":
    import jax
    _d = setup_inputs()
    print(jax.jit(kernel)(*tuple(_d.values())))

</pallas_src>

<mosaic_0001>
#map = affine_map<(d0, d1) -> (0, 0)>
#map1 = affine_map<(d0, d1) -> (0)>
module attributes {stable_mosaic.version = 14 : i64} {
  func.func @_prod_body(%arg0: i32, %arg1: i32, %arg2: memref<262144x128xf32, #tpu.memory_space<hbm>>, %arg3: memref<524288xi32, #tpu.memory_space<hbm>>, %arg4: memref<131073x128xf32, #tpu.memory_space<hbm>>, %arg5: memref<131073x128xf32, #tpu.memory_space<hbm>>, %arg6: memref<128xi32, #tpu.memory_space<vmem>>, %arg7: memref<128x128xf32, #tpu.memory_space<vmem>>, %arg8: memref<32x128xf32, #tpu.memory_space<vmem>>, %arg9: memref<!tpu.dma_semaphore, #tpu.memory_space<semaphore_mem>>) attributes {dimension_semantics = [#tpu.dimension_semantics<core_parallel>, #tpu.dimension_semantics<subcore_parallel>], iteration_bounds = array<i64: 2, 16>, scalar_prefetch = 0 : i64, scratch_operands = 4 : i64, tpu.core_type = #tpu.core_type<sc_vector_subcore>, window_params = [{transform_indices = #map}, {transform_indices = #map1}, {transform_indices = #map}, {transform_indices = #map}]} {
    %mul3A = arith.constant 2 : i32
    %mul3A_0 = arith.muli %arg1, %mul3A : i32
    %add3A = arith.addi %mul3A_0, %arg0 : i32
    %mul3A_1 = arith.constant 4096 : i32
    %mul3A_2 = arith.muli %add3A, %mul3A_1 : i32
    %scan3A = arith.constant 0 : i32
    %scan3A_3 = arith.constant 0 : i32
    %scan3A_4 = arith.constant 128 : i32
    %scan3A_5 = arith.addi %scan3A_3, %scan3A_4 : i32
    %scan3A_6 = arith.constant 1 : i32
    scf.for %scan3A_10 = %scan3A_3 to %scan3A_5 step %scan3A_6  : i32 {
      %mul3A_11 = arith.constant 32 : i32
      %mul3A_12 = arith.muli %scan3A_10, %mul3A_11 : i32
      %add3A_13 = arith.addi %mul3A_2, %mul3A_12 : i32
      %mul3A_14 = arith.constant 4 : i32
      %mul3A_15 = arith.muli %add3A_13, %mul3A_14 : i32
      "tpu.region"() ({
        %run_scoped3A = tpu.sem_alloc : memref<!tpu.dma_semaphore, #tpu.memory_space<semaphore_mem>>
        %dma_start3A_26 = tpu.memref_slice %arg3[%mul3A_15] : memref<524288xi32, #tpu.memory_space<hbm>> -> memref<128xi32, #tpu.memory_space<hbm>>
        %dma_start3A_27 = tpu.memref_slice %arg3[%mul3A_15] : memref<524288xi32, #tpu.memory_space<hbm>> -> memref<128xi32, #tpu.memory_space<hbm>>
        tpu.enqueue_dma source(%dma_start3A_27 : memref<128xi32, #tpu.memory_space<hbm>>) target(%arg6 : memref<128xi32, #tpu.memory_space<vmem>>) target_semaphore(%run_scoped3A : memref<!tpu.dma_semaphore, #tpu.memory_space<semaphore_mem>>)
        %dma_wait3A_28 = tpu.memref_slice %arg3[%mul3A_15] : memref<524288xi32, #tpu.memory_space<hbm>> -> memref<128xi32, #tpu.memory_space<hbm>>
        %dma_wait3A_29 = tpu.memref_slice %arg3[%mul3A_15] : memref<524288xi32, #tpu.memory_space<hbm>> -> memref<128xi32, #tpu.memory_space<hbm>>
        tpu.wait_dma2 semaphore(%run_scoped3A : memref<!tpu.dma_semaphore, #tpu.memory_space<semaphore_mem>>) src(%dma_wait3A_29 : memref<128xi32, #tpu.memory_space<hbm>>) dst(%arg6 : memref<128xi32, #tpu.memory_space<vmem>>)
        tpu.yield
      }) : () -> ()
      %dma_start3A = arith.constant 0 : i32
      %dma_start3A_16 = arith.constant 0 : i32
      %dma_start3A_17 = tpu.memref_slice %arg2[%dma_start3A, %dma_start3A_16] : memref<262144x128xf32, #tpu.memory_space<hbm>> -> memref<262144x128xf32, #tpu.memory_space<hbm>>
      tpu.enqueue_indirect_dma source(%dma_start3A_17 : memref<262144x128xf32, #tpu.memory_space<hbm>>) target(%arg7 : memref<128x128xf32, #tpu.memory_space<vmem>>) offsets(%arg6 : memref<128xi32, #tpu.memory_space<vmem>>) semaphore(%arg9 : memref<!tpu.dma_semaphore, #tpu.memory_space<semaphore_mem>>)
      %dma_wait3A = arith.constant 0 : i32
      %dma_wait3A_18 = arith.constant 0 : i32
      %dma_wait3A_19 = tpu.memref_slice %arg2[%dma_wait3A, %dma_wait3A_18] : memref<262144x128xf32, #tpu.memory_space<hbm>> -> memref<262144x128xf32, #tpu.memory_space<hbm>>
      tpu.wait_indirect_dma semaphore(%arg9 : memref<!tpu.dma_semaphore, #tpu.memory_space<semaphore_mem>>) src(%dma_wait3A_19 : memref<262144x128xf32, #tpu.memory_space<hbm>>) dst(%arg7 : memref<128x128xf32, #tpu.memory_space<vmem>>)
      %scan3A_20 = arith.constant 0 : i32
      %scan3A_21 = arith.constant 0 : i32
      %scan3A_22 = arith.constant 32 : i32
      %scan3A_23 = arith.addi %scan3A_21, %scan3A_22 : i32
      %scan3A_24 = arith.constant 1 : i32
      scf.for %scan3A_26 = %scan3A_21 to %scan3A_23 step %scan3A_24  : i32 {
        %mul3A_27 = arith.constant 4 : i32
        %mul3A_28 = arith.muli %scan3A_26, %mul3A_27 : i32
        %get3A = arith.index_cast %mul3A_28 : i32 to index
        %get3A_29 = arith.constant 0 : index
        %get3A_30 = tpu.vector_load %arg7[%get3A, %get3A_29] {strides = array<i32>} : memref<128x128xf32, #tpu.memory_space<vmem>>, vector<1x16xf32>,
        %get3A_31 = vector.shape_cast %get3A_30 : vector<1x16xf32> to vector<16xf32>
        %add3A_32 = arith.constant 1 : i32
        %add3A_33 = arith.addi %mul3A_28, %add3A_32 : i32
        %get3A_34 = arith.index_cast %add3A_33 : i32 to index
        %get3A_35 = arith.constant 0 : index
        %get3A_36 = tpu.vector_load %arg7[%get3A_34, %get3A_35] {strides = array<i32>} : memref<128x128xf32, #tpu.memory_space<vmem>>, vector<1x16xf32>,
        %get3A_37 = vector.shape_cast %get3A_36 : vector<1x16xf32> to vector<16xf32>
        %add3A_38 = arith.addf %get3A_31, %get3A_37 : vector<16xf32>
        %add3A_39 = arith.constant 2 : i32
        %add3A_40 = arith.addi %mul3A_28, %add3A_39 : i32
        %get3A_41 = arith.index_cast %add3A_40 : i32 to index
        %get3A_42 = arith.constant 0 : index
        %get3A_43 = tpu.vector_load %arg7[%get3A_41, %get3A_42] {strides = array<i32>} : memref<128x128xf32, #tpu.memory_space<vmem>>, vector<1x16xf32>,
        %get3A_44 = vector.shape_cast %get3A_43 : vector<1x16xf32> to vector<16xf32>
        %add3A_45 = arith.addf %add3A_38, %get3A_44 : vector<16xf32>
        %add3A_46 = arith.constant 3 : i32
        %add3A_47 = arith.addi %mul3A_28, %add3A_46 : i32
        %get3A_48 = arith.index_cast %add3A_47 : i32 to index
        %get3A_49 = arith.constant 0 : index
        %get3A_50 = tpu.vector_load %arg7[%get3A_48, %get3A_49] {strides = array<i32>} : memref<128x128xf32, #tpu.memory_space<vmem>>, vector<1x16xf32>,
        %get3A_51 = vector.shape_cast %get3A_50 : vector<1x16xf32> to vector<16xf32>
        %add3A_52 = arith.addf %add3A_45, %get3A_51 : vector<16xf32>
        %swap3A = arith.index_cast %scan3A_26 : i32 to index
        %swap3A_53 = arith.constant 0 : index
        %swap3A_54 = tpu.vector_load %arg8[%swap3A, %swap3A_53] {strides = array<i32>} : memref<32x128xf32, #tpu.memory_space<vmem>>, vector<1x16xf32>,
        %swap3A_55 = vector.shape_cast %swap3A_54 : vector<1x16xf32> to vector<16xf32>
        %swap3A_56 = vector.shape_cast %add3A_52 : vector<16xf32> to vector<1x16xf32>
        tpu.vector_store %arg8[%swap3A, %swap3A_53], %swap3A_56 {strides = array<i32>} : memref<32x128xf32, #tpu.memory_space<vmem>>, vector<1x16xf32>,
        %get3A_57 = arith.index_cast %mul3A_28 : i32 to index
        %get3A_58 = arith.constant 16 : index
        %get3A_59 = tpu.vector_load %arg7[%get3A_57, %get3A_58] {strides = array<i32>} : memref<128x128xf32, #tpu.memory_space<vmem>>, vector<1x16xf32>,
        %get3A_60 = vector.shape_cast %get3A_59 : vector<1x16xf32> to vector<16xf32>
        %add3A_61 = arith.constant 1 : i32
        %add3A_62 = arith.addi %mul3A_28, %add3A_61 : i32
        %get3A_63 = arith.index_cast %add3A_62 : i32 to index
        %get3A_64 = arith.constant 16 : index
        %get3A_65 = tpu.vector_load %arg7[%get3A_63, %get3A_64] {strides = array<i32>} : memref<128x128xf32, #tpu.memory_space<vmem>>, vector<1x16xf32>,
        %get3A_66 = vector.shape_cast %get3A_65 : vector<1x16xf32> to vector<16xf32>
        %add3A_67 = arith.addf %get3A_60, %get3A_66 : vector<16xf32>
        %add3A_68 = arith.constant 2 : i32
        %add3A_69 = arith.addi %mul3A_28, %add3A_68 : i32
        %get3A_70 = arith.index_cast %add3A_69 : i32 to index
        %get3A_71 = arith.constant 16 : index
        %get3A_72 = tpu.vector_load %arg7[%get3A_70, %get3A_71] {strides = array<i32>} : memref<128x128xf32, #tpu.memory_space<vmem>>, vector<1x16xf32>,
        %get3A_73 = vector.shape_cast %get3A_72 : vector<1x16xf32> to vector<16xf32>
        %add3A_74 = arith.addf %add3A_67, %get3A_73 : vector<16xf32>
        %add3A_75 = arith.constant 3 : i32
        %add3A_76 = arith.addi %mul3A_28, %add3A_75 : i32
        %get3A_77 = arith.index_cast %add3A_76 : i32 to index
        %get3A_78 = arith.constant 16 : index
        %get3A_79 = tpu.vector_load %arg7[%get3A_77, %get3A_78] {strides = array<i32>} : memref<128x128xf32, #tpu.memory_space<vmem>>, vector<1x16xf32>,
        %get3A_80 = vector.shape_cast %get3A_79 : vector<1x16xf32> to vector<16xf32>
        %add3A_81 = arith.addf %add3A_74, %get3A_80 : vector<16xf32>
        %swap3A_82 = arith.index_cast %scan3A_26 : i32 to index
        %swap3A_83 = arith.constant 16 : index
        %swap3A_84 = tpu.vector_load %arg8[%swap3A_82, %swap3A_83] {strides = array<i32>} : memref<32x128xf32, #tpu.memory_space<vmem>>, vector<1x16xf32>,
        %swap3A_85 = vector.shape_cast %swap3A_84 : vector<1x16xf32> to vector<16xf32>
        %swap3A_86 = vector.shape_cast %add3A_81 : vector<16xf32> to vector<1x16xf32>
        tpu.vector_store %arg8[%swap3A_82, %swap3A_83], %swap3A_86 {strides = array<i32>} : memref<32x128xf32, #tpu.memory_space<vmem>>, vector<1x16xf32>,
        %get3A_87 = arith.index_cast %mul3A_28 : i32 to index
        %get3A_88 = arith.constant 32 : index
        %get3A_89 = tpu.vector_load %arg7[%get3A_87, %get3A_88] {strides = array<i32>} : memref<128x128xf32, #tpu.memory_space<vmem>>, vector<1x16xf32>,
        %get3A_90 = vector.shape_cast %get3A_89 : vector<1x16xf32> to vector<16xf32>
        %add3A_91 = arith.constant 1 : i32
        %add3A_92 = arith.addi %mul3A_28, %add3A_91 : i32
        %get3A_93 = arith.index_cast %add3A_92 : i32 to index
        %get3A_94 = arith.constant 32 : index
        %get3A_95 = tpu.vector_load %arg7[%get3A_93, %get3A_94] {strides = array<i32>} : memref<128x128xf32, #tpu.memory_space<vmem>>, vector<1x16xf32>,
        %get3A_96 = vector.shape_cast %get3A_95 : vector<1x16xf32> to vector<16xf32>
        %add3A_97 = arith.addf %get3A_90, %get3A_96 : vector<16xf32>
        %add3A_98 = arith.constant 2 : i32
        %add3A_99 = arith.addi %mul3A_28, %add3A_98 : i32
        %get3A_100 = arith.index_cast %add3A_99 : i32 to index
        %get3A_101 = arith.constant 32 : index
        %get3A_102 = tpu.vector_load %arg7[%get3A_100, %get3A_101] {strides = array<i32>} : memref<128x128xf32, #tpu.memory_space<vmem>>, vector<1x16xf32>,
        %get3A_103 = vector.shape_cast %get3A_102 : vector<1x16xf32> to vector<16xf32>
        %add3A_104 = arith.addf %add3A_97, %get3A_103 : vector<16xf32>
        %add3A_105 = arith.constant 3 : i32
        %add3A_106 = arith.addi %mul3A_28, %add3A_105 : i32
        %get3A_107 = arith.index_cast %add3A_106 : i32 to index
        %get3A_108 = arith.constant 32 : index
        %get3A_109 = tpu.vector_load %arg7[%get3A_107, %get3A_108] {strides = array<i32>} : memref<128x128xf32, #tpu.memory_space<vmem>>, vector<1x16xf32>,
        %get3A_110 = vector.shape_cast %get3A_109 : vector<1x16xf32> to vector<16xf32>
        %add3A_111 = arith.addf %add3A_104, %get3A_110 : vector<16xf32>
        %swap3A_112 = arith.index_cast %scan3A_26 : i32 to index
        %swap3A_113 = arith.constant 32 : index
        %swap3A_114 = tpu.vector_load %arg8[%swap3A_112, %swap3A_113] {strides = array<i32>} : memref<32x128xf32, #tpu.memory_space<vmem>>, vector<1x16xf32>,
        %swap3A_115 = vector.shape_cast %swap3A_114 : vector<1x16xf32> to vector<16xf32>
        %swap3A_116 = vector.shape_cast %add3A_111 : vector<16xf32> to vector<1x16xf32>
        tpu.vector_store %arg8[%swap3A_112, %swap3A_113], %swap3A_116 {strides = array<i32>} : memref<32x128xf32, #tpu.memory_space<vmem>>, vector<1x16xf32>,
        %get3A_117 = arith.index_cast %mul3A_28 : i32 to index
        %get3A_118 = arith.constant 48 : index
        %get3A_119 = tpu.vector_load %arg7[%get3A_117, %get3A_118] {strides = array<i32>} : memref<128x128xf32, #tpu.memory_space<vmem>>, vector<1x16xf32>,
        %get3A_120 = vector.shape_cast %get3A_119 : vector<1x16xf32> to vector<16xf32>
        %add3A_121 = arith.constant 1 : i32
        %add3A_122 = arith.addi %mul3A_28, %add3A_121 : i32
        %get3A_123 = arith.index_cast %add3A_122 : i32 to index
        %get3A_124 = arith.constant 48 : index
        %get3A_125 = tpu.vector_load %arg7[%get3A_123, %get3A_124] {strides = array<i32>} : memref<128x128xf32, #tpu.memory_space<vmem>>, vector<1x16xf32>,
        %get3A_126 = vector.shape_cast %get3A_125 : vector<1x16xf32> to vector<16xf32>
        %add3A_127 = arith.addf %get3A_120, %get3A_126 : vector<16xf32>
        %add3A_128 = arith.constant 2 : i32
        %add3A_129 = arith.addi %mul3A_28, %add3A_128 : i32
        %get3A_130 = arith.index_cast %add3A_129 : i32 to index
        %get3A_131 = arith.constant 48 : index
        %get3A_132 = tpu.vector_load %arg7[%get3A_130, %get3A_131] {strides = array<i32>} : memref<128x128xf32, #tpu.memory_space<vmem>>, vector<1x16xf32>,
        %get3A_133 = vector.shape_cast %get3A_132 : vector<1x16xf32> to vector<16xf32>
        %add3A_134 = arith.addf %add3A_127, %get3A_133 : vector<16xf32>
        %add3A_135 = arith.constant 3 : i32
        %add3A_136 = arith.addi %mul3A_28, %add3A_135 : i32
        %get3A_137 = arith.index_cast %add3A_136 : i32 to index
        %get3A_138 = arith.constant 48 : index
        %get3A_139 = tpu.vector_load %arg7[%get3A_137, %get3A_138] {strides = array<i32>} : memref<128x128xf32, #tpu.memory_space<vmem>>, vector<1x16xf32>,
        %get3A_140 = vector.shape_cast %get3A_139 : vector<1x16xf32> to vector<16xf32>
        %add3A_141 = arith.addf %add3A_134, %get3A_140 : vector<16xf32>
        %swap3A_142 = arith.index_cast %scan3A_26 : i32 to index
        %swap3A_143 = arith.constant 48 : index
        %swap3A_144 = tpu.vector_load %arg8[%swap3A_142, %swap3A_143] {strides = array<i32>} : memref<32x128xf32, #tpu.memory_space<vmem>>, vector<1x16xf32>,
        %swap3A_145 = vector.shape_cast %swap3A_144 : vector<1x16xf32> to vector<16xf32>
        %swap3A_146 = vector.shape_cast %add3A_141 : vector<16xf32> to vector<1x16xf32>
        tpu.vector_store %arg8[%swap3A_142, %swap3A_143], %swap3A_146 {strides = array<i32>} : memref<32x128xf32, #tpu.memory_space<vmem>>, vector<1x16xf32>,
        %get3A_147 = arith.index_cast %mul3A_28 : i32 to index
        %get3A_148 = arith.constant 64 : index
        %get3A_149 = tpu.vector_load %arg7[%get3A_147, %get3A_148] {strides = array<i32>} : memref<128x128xf32, #tpu.memory_space<vmem>>, vector<1x16xf32>,
        %get3A_150 = vector.shape_cast %get3A_149 : vector<1x16xf32> to vector<16xf32>
        %add3A_151 = arith.constant 1 : i32
        %add3A_152 = arith.addi %mul3A_28, %add3A_151 : i32
        %get3A_153 = arith.index_cast %add3A_152 : i32 to index
        %get3A_154 = arith.constant 64 : index
        %get3A_155 = tpu.vector_load %arg7[%get3A_153, %get3A_154] {strides = array<i32>} : memref<128x128xf32, #tpu.memory_space<vmem>>, vector<1x16xf32>,
        %get3A_156 = vector.shape_cast %get3A_155 : vector<1x16xf32> to vector<16xf32>
        %add3A_157 = arith.addf %get3A_150, %get3A_156 : vector<16xf32>
        %add3A_158 = arith.constant 2 : i32
        %add3A_159 = arith.addi %mul3A_28, %add3A_158 : i32
        %get3A_160 = arith.index_cast %add3A_159 : i32 to index
        %get3A_161 = arith.constant 64 : index
        %get3A_162 = tpu.vector_load %arg7[%get3A_160, %get3A_161] {strides = array<i32>} : memref<128x128xf32, #tpu.memory_space<vmem>>, vector<1x16xf32>,
        %get3A_163 = vector.shape_cast %get3A_162 : vector<1x16xf32> to vector<16xf32>
        %add3A_164 = arith.addf %add3A_157, %get3A_163 : vector<16xf32>
        %add3A_165 = arith.constant 3 : i32
        %add3A_166 = arith.addi %mul3A_28, %add3A_165 : i32
        %get3A_167 = arith.index_cast %add3A_166 : i32 to index
        %get3A_168 = arith.constant 64 : index
        %get3A_169 = tpu.vector_load %arg7[%get3A_167, %get3A_168] {strides = array<i32>} : memref<128x128xf32, #tpu.memory_space<vmem>>, vector<1x16xf32>,
        %get3A_170 = vector.shape_cast %get3A_169 : vector<1x16xf32> to vector<16xf32>
        %add3A_171 = arith.addf %add3A_164, %get3A_170 : vector<16xf32>
        %swap3A_172 = arith.index_cast %scan3A_26 : i32 to index
        %swap3A_173 = arith.constant 64 : index
        %swap3A_174 = tpu.vector_load %arg8[%swap3A_172, %swap3A_173] {strides = array<i32>} : memref<32x128xf32, #tpu.memory_space<vmem>>, vector<1x16xf32>,
        %swap3A_175 = vector.shape_cast %swap3A_174 : vector<1x16xf32> to vector<16xf32>
        %swap3A_176 = vector.shape_cast %add3A_171 : vector<16xf32> to vector<1x16xf32>
        tpu.vector_store %arg8[%swap3A_172, %swap3A_173], %swap3A_176 {strides = array<i32>} : memref<32x128xf32, #tpu.memory_space<vmem>>, vector<1x16xf32>,
        %get3A_177 = arith.index_cast %mul3A_28 : i32 to index
        %get3A_178 = arith.constant 80 : index
        %get3A_179 = tpu.vector_load %arg7[%get3A_177, %get3A_178] {strides = array<i32>} : memref<128x128xf32, #tpu.memory_space<vmem>>, vector<1x16xf32>,
        %get3A_180 = vector.shape_cast %get3A_179 : vector<1x16xf32> to vector<16xf32>
        %add3A_181 = arith.constant 1 : i32
        %add3A_182 = arith.addi %mul3A_28, %add3A_181 : i32
        %get3A_183 = arith.index_cast %add3A_182 : i32 to index
        %get3A_184 = arith.constant 80 : index
        %get3A_185 = tpu.vector_load %arg7[%get3A_183, %get3A_184] {strides = array<i32>} : memref<128x128xf32, #tpu.memory_space<vmem>>, vector<1x16xf32>,
        %get3A_186 = vector.shape_cast %get3A_185 : vector<1x16xf32> to vector<16xf32>
        %add3A_187 = arith.addf %get3A_180, %get3A_186 : vector<16xf32>
        %add3A_188 = arith.constant 2 : i32
        %add3A_189 = arith.addi %mul3A_28, %add3A_188 : i32
        %get3A_190 = arith.index_cast %add3A_189 : i32 to index
        %get3A_191 = arith.constant 80 : index
        %get3A_192 = tpu.vector_load %arg7[%get3A_190, %get3A_191] {strides = array<i32>} : memref<128x128xf32, #tpu.memory_space<vmem>>, vector<1x16xf32>,
        %get3A_193 = vector.shape_cast %get3A_192 : vector<1x16xf32> to vector<16xf32>
        %add3A_194 = arith.addf %add3A_187, %get3A_193 : vector<16xf32>
        %add3A_195 = arith.constant 3 : i32
        %add3A_196 = arith.addi %mul3A_28, %add3A_195 : i32
        %get3A_197 = arith.index_cast %add3A_196 : i32 to index
        %get3A_198 = arith.constant 80 : index
        %get3A_199 = tpu.vector_load %arg7[%get3A_197, %get3A_198] {strides = array<i32>} : memref<128x128xf32, #tpu.memory_space<vmem>>, vector<1x16xf32>,
        %get3A_200 = vector.shape_cast %get3A_199 : vector<1x16xf32> to vector<16xf32>
        %add3A_201 = arith.addf %add3A_194, %get3A_200 : vector<16xf32>
        %swap3A_202 = arith.index_cast %scan3A_26 : i32 to index
        %swap3A_203 = arith.constant 80 : index
        %swap3A_204 = tpu.vector_load %arg8[%swap3A_202, %swap3A_203] {strides = array<i32>} : memref<32x128xf32, #tpu.memory_space<vmem>>, vector<1x16xf32>,
        %swap3A_205 = vector.shape_cast %swap3A_204 : vector<1x16xf32> to vector<16xf32>
        %swap3A_206 = vector.shape_cast %add3A_201 : vector<16xf32> to vector<1x16xf32>
        tpu.vector_store %arg8[%swap3A_202, %swap3A_203], %swap3A_206 {strides = array<i32>} : memref<32x128xf32, #tpu.memory_space<vmem>>, vector<1x16xf32>,
        %get3A_207 = arith.index_cast %mul3A_28 : i32 to index
        %get3A_208 = arith.constant 96 : index
        %get3A_209 = tpu.vector_load %arg7[%get3A_207, %get3A_208] {strides = array<i32>} : memref<128x128xf32, #tpu.memory_space<vmem>>, vector<1x16xf32>,
        %get3A_210 = vector.shape_cast %get3A_209 : vector<1x16xf32> to vector<16xf32>
        %add3A_211 = arith.constant 1 : i32
        %add3A_212 = arith.addi %mul3A_28, %add3A_211 : i32
        %get3A_213 = arith.index_cast %add3A_212 : i32 to index
        %get3A_214 = arith.constant 96 : index
        %get3A_215 = tpu.vector_load %arg7[%get3A_213, %get3A_214] {strides = array<i32>} : memref<128x128xf32, #tpu.memory_space<vmem>>, vector<1x16xf32>,
        %get3A_216 = vector.shape_cast %get3A_215 : vector<1x16xf32> to vector<16xf32>
        %add3A_217 = arith.addf %get3A_210, %get3A_216 : vector<16xf32>
        %add3A_218 = arith.constant 2 : i32
        %add3A_219 = arith.addi %mul3A_28, %add3A_218 : i32
        %get3A_220 = arith.index_cast %add3A_219 : i32 to index
        %get3A_221 = arith.constant 96 : index
        %get3A_222 = tpu.vector_load %arg7[%get3A_220, %get3A_221] {strides = array<i32>} : memref<128x128xf32, #tpu.memory_space<vmem>>, vector<1x16xf32>,
        %get3A_223 = vector.shape_cast %get3A_222 : vector<1x16xf32> to vector<16xf32>
        %add3A_224 = arith.addf %add3A_217, %get3A_223 : vector<16xf32>
        %add3A_225 = arith.constant 3 : i32
        %add3A_226 = arith.addi %mul3A_28, %add3A_225 : i32
        %get3A_227 = arith.index_cast %add3A_226 : i32 to index
        %get3A_228 = arith.constant 96 : index
        %get3A_229 = tpu.vector_load %arg7[%get3A_227, %get3A_228] {strides = array<i32>} : memref<128x128xf32, #tpu.memory_space<vmem>>, vector<1x16xf32>,
        %get3A_230 = vector.shape_cast %get3A_229 : vector<1x16xf32> to vector<16xf32>
        %add3A_231 = arith.addf %add3A_224, %get3A_230 : vector<16xf32>
        %swap3A_232 = arith.index_cast %scan3A_26 : i32 to index
        %swap3A_233 = arith.constant 96 : index
        %swap3A_234 = tpu.vector_load %arg8[%swap3A_232, %swap3A_233] {strides = array<i32>} : memref<32x128xf32, #tpu.memory_space<vmem>>, vector<1x16xf32>,
        %swap3A_235 = vector.shape_cast %swap3A_234 : vector<1x16xf32> to vector<16xf32>
        %swap3A_236 = vector.shape_cast %add3A_231 : vector<16xf32> to vector<1x16xf32>
        tpu.vector_store %arg8[%swap3A_232, %swap3A_233], %swap3A_236 {strides = array<i32>} : memref<32x128xf32, #tpu.memory_space<vmem>>, vector<1x16xf32>,
        %get3A_237 = arith.index_cast %mul3A_28 : i32 to index
        %get3A_238 = arith.constant 112 : index
        %get3A_239 = tpu.vector_load %arg7[%get3A_237, %get3A_238] {strides = array<i32>} : memref<128x128xf32, #tpu.memory_space<vmem>>, vector<1x16xf32>,
        %get3A_240 = vector.shape_cast %get3A_239 : vector<1x16xf32> to vector<16xf32>
        %add3A_241 = arith.constant 1 : i32
        %add3A_242 = arith.addi %mul3A_28, %add3A_241 : i32
        %get3A_243 = arith.index_cast %add3A_242 : i32 to index
        %get3A_244 = arith.constant 112 : index
        %get3A_245 = tpu.vector_load %arg7[%get3A_243, %get3A_244] {strides = array<i32>} : memref<128x128xf32, #tpu.memory_space<vmem>>, vector<1x16xf32>,
        %get3A_246 = vector.shape_cast %get3A_245 : vector<1x16xf32> to vector<16xf32>
        %add3A_247 = arith.addf %get3A_240, %get3A_246 : vector<16xf32>
        %add3A_248 = arith.constant 2 : i32
        %add3A_249 = arith.addi %mul3A_28, %add3A_248 : i32
        %get3A_250 = arith.index_cast %add3A_249 : i32 to index
        %get3A_251 = arith.constant 112 : index
        %get3A_252 = tpu.vector_load %arg7[%get3A_250, %get3A_251] {strides = array<i32>} : memref<128x128xf32, #tpu.memory_space<vmem>>, vector<1x16xf32>,
        %get3A_253 = vector.shape_cast %get3A_252 : vector<1x16xf32> to vector<16xf32>
        %add3A_254 = arith.addf %add3A_247, %get3A_253 : vector<16xf32>
        %add3A_255 = arith.constant 3 : i32
        %add3A_256 = arith.addi %mul3A_28, %add3A_255 : i32
        %get3A_257 = arith.index_cast %add3A_256 : i32 to index
        %get3A_258 = arith.constant 112 : index
        %get3A_259 = tpu.vector_load %arg7[%get3A_257, %get3A_258] {strides = array<i32>} : memref<128x128xf32, #tpu.memory_space<vmem>>, vector<1x16xf32>,
        %get3A_260 = vector.shape_cast %get3A_259 : vector<1x16xf32> to vector<16xf32>
        %add3A_261 = arith.addf %add3A_254, %get3A_260 : vector<16xf32>
        %swap3A_262 = arith.index_cast %scan3A_26 : i32 to index
        %swap3A_263 = arith.constant 112 : index
        %swap3A_264 = tpu.vector_load %arg8[%swap3A_262, %swap3A_263] {strides = array<i32>} : memref<32x128xf32, #tpu.memory_space<vmem>>, vector<1x16xf32>,
        %swap3A_265 = vector.shape_cast %swap3A_264 : vector<1x16xf32> to vector<16xf32>
        %swap3A_266 = vector.shape_cast %add3A_261 : vector<16xf32> to vector<1x16xf32>
        tpu.vector_store %arg8[%swap3A_262, %swap3A_263], %swap3A_266 {strides = array<i32>} : memref<32x128xf32, #tpu.memory_space<vmem>>, vector<1x16xf32>,
      }
      %scan3A_25 = arith.constant 32 : i32
      "tpu.region"() ({
        %run_scoped3A = tpu.sem_alloc : memref<!tpu.dma_semaphore, #tpu.memory_space<semaphore_mem>>
        %dma_start3A_26 = arith.constant 0 : i32
        %dma_start3A_27 = tpu.memref_slice %arg5[%add3A_13, %dma_start3A_26] : memref<131073x128xf32, #tpu.memory_space<hbm>> -> memref<32x128xf32, #tpu.memory_space<hbm>>
        %dma_start3A_28 = arith.constant 0 : i32
        %dma_start3A_29 = tpu.memref_slice %arg5[%add3A_13, %dma_start3A_28] : memref<131073x128xf32, #tpu.memory_space<hbm>> -> memref<32x128xf32, #tpu.memory_space<hbm>>
        tpu.enqueue_dma source(%arg8 : memref<32x128xf32, #tpu.memory_space<vmem>>) target(%dma_start3A_29 : memref<32x128xf32, #tpu.memory_space<hbm>>) target_semaphore(%run_scoped3A : memref<!tpu.dma_semaphore, #tpu.memory_space<semaphore_mem>>)
        %dma_wait3A_30 = arith.constant 0 : i32
        %dma_wait3A_31 = tpu.memref_slice %arg5[%add3A_13, %dma_wait3A_30] : memref<131073x128xf32, #tpu.memory_space<hbm>> -> memref<32x128xf32, #tpu.memory_space<hbm>>
        %dma_wait3A_32 = arith.constant 0 : i32
        %dma_wait3A_33 = tpu.memref_slice %arg5[%add3A_13, %dma_wait3A_32] : memref<131073x128xf32, #tpu.memory_space<hbm>> -> memref<32x128xf32, #tpu.memory_space<hbm>>
        tpu.wait_dma2 semaphore(%run_scoped3A : memref<!tpu.dma_semaphore, #tpu.memory_space<semaphore_mem>>) src(%arg8 : memref<32x128xf32, #tpu.memory_space<vmem>>) dst(%dma_wait3A_33 : memref<32x128xf32, #tpu.memory_space<hbm>>)
        tpu.yield
      }) : () -> ()
    }
    %scan3A_7 = arith.constant 128 : i32
    %eq3A = arith.constant 0 : i32
    %eq3A_8 = arith.cmpi eq, %add3A, %eq3A : i32
    %convert_element_type3A = arith.extui %eq3A_8 : i1 to i32
    %cond3A = arith.constant 0 : i32
    %cond3A_9 = arith.cmpi ne, %convert_element_type3A, %cond3A : i32
    scf.if %cond3A_9 {
      "tpu.region"() ({
        %run_scoped3A = tpu.sem_alloc : memref<!tpu.dma_semaphore, #tpu.memory_space<semaphore_mem>>
        %dma_start3A = arith.constant 0 : i32
        %dma_start3A_10 = arith.constant 0 : i32
        %dma_start3A_11 = tpu.memref_slice %arg8[%dma_start3A, %dma_start3A_10] : memref<32x128xf32, #tpu.memory_space<vmem>> -> memref<1x128xf32, #tpu.memory_space<vmem>>
        %dma_start3A_12 = arith.constant 131072 : i32
        %dma_start3A_13 = arith.constant 0 : i32
        %dma_start3A_14 = tpu.memref_slice %arg4[%dma_start3A_12, %dma_start3A_13] : memref<131073x128xf32, #tpu.memory_space<hbm>> -> memref<1x128xf32, #tpu.memory_space<hbm>>
        %dma_start3A_15 = arith.constant 0 : i32
        %dma_start3A_16 = arith.constant 0 : i32
        %dma_start3A_17 = tpu.memref_slice %arg8[%dma_start3A_15, %dma_start3A_16] : memref<32x128xf32, #tpu.memory_space<vmem>> -> memref<1x128xf32, #tpu.memory_space<vmem>>
        %dma_start3A_18 = arith.constant 131072 : i32
        %dma_start3A_19 = arith.constant 0 : i32
        %dma_start3A_20 = tpu.memref_slice %arg4[%dma_start3A_18, %dma_start3A_19] : memref<131073x128xf32, #tpu.memory_space<hbm>> -> memref<1x128xf32, #tpu.memory_space<hbm>>
        tpu.enqueue_dma source(%dma_start3A_20 : memref<1x128xf32, #tpu.memory_space<hbm>>) target(%dma_start3A_17 : memref<1x128xf32, #tpu.memory_space<vmem>>) target_semaphore(%run_scoped3A : memref<!tpu.dma_semaphore, #tpu.memory_space<semaphore_mem>>)
        %dma_wait3A = arith.constant 0 : i32
        %dma_wait3A_21 = arith.constant 0 : i32
        %dma_wait3A_22 = tpu.memref_slice %arg8[%dma_wait3A, %dma_wait3A_21] : memref<32x128xf32, #tpu.memory_space<vmem>> -> memref<1x128xf32, #tpu.memory_space<vmem>>
        %dma_wait3A_23 = arith.constant 131072 : i32
        %dma_wait3A_24 = arith.constant 0 : i32
        %dma_wait3A_25 = tpu.memref_slice %arg4[%dma_wait3A_23, %dma_wait3A_24] : memref<131073x128xf32, #tpu.memory_space<hbm>> -> memref<1x128xf32, #tpu.memory_space<hbm>>
        %dma_wait3A_26 = arith.constant 0 : i32
        %dma_wait3A_27 = arith.constant 0 : i32
        %dma_wait3A_28 = tpu.memref_slice %arg8[%dma_wait3A_26, %dma_wait3A_27] : memref<32x128xf32, #tpu.memory_space<vmem>> -> memref<1x128xf32, #tpu.memory_space<vmem>>
        %dma_wait3A_29 = arith.constant 131072 : i32
        %dma_wait3A_30 = arith.constant 0 : i32
        %dma_wait3A_31 = tpu.memref_slice %arg4[%dma_wait3A_29, %dma_wait3A_30] : memref<131073x128xf32, #tpu.memory_space<hbm>> -> memref<1x128xf32, #tpu.memory_space<hbm>>
        tpu.wait_dma2 semaphore(%run_scoped3A : memref<!tpu.dma_semaphore, #tpu.memory_space<semaphore_mem>>) src(%dma_wait3A_31 : memref<1x128xf32, #tpu.memory_space<hbm>>) dst(%dma_wait3A_28 : memref<1x128xf32, #tpu.memory_space<vmem>>)
        tpu.yield
      }) : () -> ()
      "tpu.region"() ({
        %run_scoped3A = tpu.sem_alloc : memref<!tpu.dma_semaphore, #tpu.memory_space<semaphore_mem>>
        %dma_start3A = arith.constant 0 : i32
        %dma_start3A_10 = arith.constant 0 : i32
        %dma_start3A_11 = tpu.memref_slice %arg8[%dma_start3A, %dma_start3A_10] : memref<32x128xf32, #tpu.memory_space<vmem>> -> memref<1x128xf32, #tpu.memory_space<vmem>>
        %dma_start3A_12 = arith.constant 131072 : i32
        %dma_start3A_13 = arith.constant 0 : i32
        %dma_start3A_14 = tpu.memref_slice %arg5[%dma_start3A_12, %dma_start3A_13] : memref<131073x128xf32, #tpu.memory_space<hbm>> -> memref<1x128xf32, #tpu.memory_space<hbm>>
        %dma_start3A_15 = arith.constant 131072 : i32
        %dma_start3A_16 = arith.constant 0 : i32
        %dma_start3A_17 = tpu.memref_slice %arg5[%dma_start3A_15, %dma_start3A_16] : memref<131073x128xf32, #tpu.memory_space<hbm>> -> memref<1x128xf32, #tpu.memory_space<hbm>>
        %dma_start3A_18 = arith.constant 0 : i32
        %dma_start3A_19 = arith.constant 0 : i32
        %dma_start3A_20 = tpu.memref_slice %arg8[%dma_start3A_18, %dma_start3A_19] : memref<32x128xf32, #tpu.memory_space<vmem>> -> memref<1x128xf32, #tpu.memory_space<vmem>>
        tpu.enqueue_dma source(%dma_start3A_20 : memref<1x128xf32, #tpu.memory_space<vmem>>) target(%dma_start3A_17 : memref<1x128xf32, #tpu.memory_space<hbm>>) target_semaphore(%run_scoped3A : memref<!tpu.dma_semaphore, #tpu.memory_space<semaphore_mem>>)
        %dma_wait3A = arith.constant 0 : i32
        %dma_wait3A_21 = arith.constant 0 : i32
        %dma_wait3A_22 = tpu.memref_slice %arg8[%dma_wait3A, %dma_wait3A_21] : memref<32x128xf32, #tpu.memory_space<vmem>> -> memref<1x128xf32, #tpu.memory_space<vmem>>
        %dma_wait3A_23 = arith.constant 131072 : i32
        %dma_wait3A_24 = arith.constant 0 : i32
        %dma_wait3A_25 = tpu.memref_slice %arg5[%dma_wait3A_23, %dma_wait3A_24] : memref<131073x128xf32, #tpu.memory_space<hbm>> -> memref<1x128xf32, #tpu.memory_space<hbm>>
        %dma_wait3A_26 = arith.constant 131072 : i32
        %dma_wait3A_27 = arith.constant 0 : i32
        %dma_wait3A_28 = tpu.memref_slice %arg5[%dma_wait3A_26, %dma_wait3A_27] : memref<131073x128xf32, #tpu.memory_space<hbm>> -> memref<1x128xf32, #tpu.memory_space<hbm>>
        %dma_wait3A_29 = arith.constant 0 : i32
        %dma_wait3A_30 = arith.constant 0 : i32
        %dma_wait3A_31 = tpu.memref_slice %arg8[%dma_wait3A_29, %dma_wait3A_30] : memref<32x128xf32, #tpu.memory_space<vmem>> -> memref<1x128xf32, #tpu.memory_space<vmem>>
        tpu.wait_dma2 semaphore(%run_scoped3A : memref<!tpu.dma_semaphore, #tpu.memory_space<semaphore_mem>>) src(%dma_wait3A_31 : memref<1x128xf32, #tpu.memory_space<vmem>>) dst(%dma_wait3A_28 : memref<1x128xf32, #tpu.memory_space<hbm>>)
        tpu.yield
      }) : () -> ()
    } else {
    }
    return
  }
}

</mosaic_0001>

<sc_bundles>
// kernel: kernel.3.cloned.1.call-start
scs
__scs_entry_jumppad:
0x0: {  	(pc) =	sbr.rel $0x88, $3  }
0x1: {  	(tag) =	ssettag $0x0;
	lr =	simm.s32 $0x1  }
0x2: {  	[smem:$0x3F9E] =	sst lr;
	_ =	strace $0xD0000000  }
0x3: {  	_ = 	snop  }
0x4: {  	_ = 	snop  }
0x5: {  	_ = 	snop  }
0x6: {  	_ = 	snop  }
0x7: {  	_ = 	snop  }
__scs_overlays_trampoline_lowered:
0x8: {  	[smem:$0x3FAD] =	sst s0  }
0x9: {  	[smem:$0x3FAE] =	sst s1  }
0xa: {  	[smem:$0x3FAF] =	sst s2  }
0xb: {  	[smem:$0x3FB0] =	sst s3  }
0xc: {  	[smem:$0x3FB1] =	sst s4  }
0xd: {  	[smem:$0x3FB2] =	sst s5  }
0xe: {  	[smem:$0x3FB3] =	sst s6  }
0xf: {  	[smem:$0x3FB4] =	sst s7  }
0x10: {  	[smem:$0x3FB5] =	sst s8  }
0x11: {  	[smem:$0x3FB6] =	sst s9;
	s0 =	simm.s32 @!p0 $0x0  }
0x12: {  	s1 =	sld [smem:$0x3F9C];
	s0 =	simm.s32 @p0 $0x1  }
0x13: {  	[smem:$0x3FB7] =	sst s0;
	s0 =	simm.s32 @!p1 $0x0  }
0x14: {  	s2 =	sld [smem:$0x3F9B];
	s0 =	simm.s32 @p1 $0x1  }
0x15: {  	[smem:$0x3FB8] =	sst s0;
	s0 =	simm.s32 @!p2 $0x0  }
0x16: {  	s3 =	sld [smem:$0x3FDB];
	s0 =	simm.s32 @p2 $0x1  }
0x17: {  	s4 =	simm.s32 $0x1BF5;
	[smem:$0x3FBA] =	sst s0  }
0x18: {  	s0 =	sld [smem:$0x3F9D];
	_ =	swait.ge [sflag:s4], $0x0  }
0x19: {  	s7 =	sld [smem:$0x3F9E]  }
0x1a: {  	s8 =	sadd.s32 $0xFFFFE003, lr  }
0x1b: {  	s9 =	sadd.s32 $0xFFFFFEF7, lr;
	s5 =	simm.s32 $0xFFFFFFFF;
	p2 =	slt.u32 s8, $0xFFFFF086  }
0x1c: {  	p1 =	slt.u32 s9, $0xF7A;
	s5 =	simm.s32 @!p2 $0x0  }
0x1d: {  	s5 =	simm.s32 @p1 $0x1;
	p0 =	seq.s32 s7, s2  }
0x1e: {  	s7 =	smul.u32 @!p0 $0xF7A, s2;
	p2 =	seq.s32 @!p0 s5, $0x0  }
0x1f: {  	s9 =	smul.u32 $0xF7A, s1;
	s8 =	simm.s32 @!p0 $0x1BF5;
	p2 =	por !p2, p0  }
0x20: {  	[sflag:s8] =	ssyncset.s32 @!p0 $0xFFFFF086;
	s6 =	sadd.s32 @!p0 s3, s7;
	s7 =	simm.s32 @!p0 $0x108  }
0x21: {  	s3 =	sadd.s32 s3, s9;
	s6 =	sadd.s32 @!p0 $0x88, s6;
	s7 =	simm.s32 @p2 $0x1082  }
0x22: {  	[simem:s7], [sflag:s8] =	dma.local @!p0 [hbm:s6], $0xF7A  }
0x23: {  	s9 =	sor.u32 $0xD0000000, s2;
	s6 =	simm.s32 $0x108;
	_ =	swait.ge @!p0 [sflag:s8], $0x0  }
0x24: {  	s3 =	sadd.s32 $0x88, s3;
	s6 =	simm.s32 @!p1 $0x1082;
	[sflag:s4] =	ssyncset.s32 $0xFFFFF086  }
0x25: {  	[simem:s6], [sflag:s4] =	dma.local [hbm:s3], $0xF7A  }
0x26: {  	[smem:$0x3F9E] =	sst s1;
	(tag) =	ssettag s2;
	_ =	strace s9  }
0x27: {  	s1 =	sld [smem:$0x3FAE]  }
0x28: {  	s2 =	sld [smem:$0x3FAF]  }
0x29: {  	s4 =	sld [smem:$0x3FB1]  }
0x2a: {  	p0 =	seq.s32 s5, $0x0;
	s5 =	sld [smem:$0x3FB2]  }
0x2b: {  	s6 =	sld [smem:$0x3FB3]  }
0x2c: {  	s7 =	sld [smem:$0x3FB4]  }
0x2d: {  	s3 =	simm.s32 $0x108;
	s8 =	sld [smem:$0x3FB5]  }
0x2e: {  	s3 =	simm.s32 @!p0 $0x1082;
	s9 =	sld [smem:$0x3FB6]  }
0x2f: {  	lr =	sadd.s32 s0, s3;
	s0 =	sld [smem:$0x3FAD]  }
0x30: {  	s3 =	sld [smem:$0x3FB0]  }
0x31: {  	[smem:$0x3FB9] =	sst s10  }
0x32: {  	s10 =	sld [smem:$0x3FB7];
	_ =	sdelay $0x3  }
0x33: {  	p0 =	seq.s32 s10, $0x1;
	s10 =	sld [smem:$0x3FB9];
	_ =	sdelay $0x3  }
0x34: {  	[smem:$0x3FB9] =	sst s10  }
0x35: {  	s10 =	sld [smem:$0x3FB8];
	_ =	sdelay $0x3  }
0x36: {  	p1 =	seq.s32 s10, $0x1;
	s10 =	sld [smem:$0x3FB9];
	_ =	sdelay $0x3  }
0x37: {  	[smem:$0x3FB9] =	sst s10  }
0x38: {  	s10 =	sld [smem:$0x3FBA]  }
0x39: {  	_ = 	snop;
	(pc) =	sbr.ind lr, $3  }
0x3a: {  	_ = 	snop  }
0x3b: {  	_ = 	snop  }
0x3c: {  	p2 =	seq.s32 s10, $0x1;
	s10 =	sld [smem:$0x3FB9]  }
0x3d: {  	_ =	shalt  }
0x3e: {  	_ =	shalt  }
0x3f: {  	_ =	shalt  }
0x40: {  	_ =	shalt  }
0x41: {  	_ =	shalt  }
0x42: {  	_ =	shalt  }
0x43: {  	_ =	shalt  }
0x44: {  	_ =	shalt  }
0x45: {  	_ =	shalt  }
0x46: {  	_ =	shalt  }
0x47: {  	_ =	shalt  }
0x48: {  	_ =	shalt  }
0x49: {  	_ =	shalt  }
0x4a: {  	_ =	shalt  }
0x4b: {  	_ =	shalt  }
0x4c: {  	_ =	shalt  }
0x4d: {  	_ =	shalt  }
0x4e: {  	_ =	shalt  }
0x4f: {  	_ =	shalt  }
0x50: {  	_ =	shalt  }
0x51: {  	_ =	shalt  }
0x52: {  	_ =	shalt  }
0x53: {  	_ =	shalt  }
0x54: {  	_ =	shalt  }
0x55: {  	_ =	shalt  }
0x56: {  	_ =	shalt  }
0x57: {  	_ =	shalt  }
0x58: {  	_ =	shalt  }
0x59: {  	_ =	shalt  }
0x5a: {  	_ =	shalt  }
0x5b: {  	_ =	shalt  }
0x5c: {  	_ =	shalt  }
0x5d: {  	_ =	shalt  }
0x5e: {  	_ =	shalt  }
0x5f: {  	_ =	shalt  }
0x60: {  	_ =	shalt  }
0x61: {  	_ =	shalt  }
0x62: {  	_ =	shalt  }
0x63: {  	_ =	shalt  }
0x64: {  	_ =	shalt  }
0x65: {  	_ =	shalt  }
0x66: {  	_ =	shalt  }
0x67: {  	_ =	shalt  }
0x68: {  	_ =	shalt  }
0x69: {  	_ =	shalt  }
0x6a: {  	_ =	shalt  }
0x6b: {  	_ =	shalt  }
0x6c: {  	_ =	shalt  }
0x6d: {  	_ =	shalt  }
0x6e: {  	_ =	shalt  }
0x6f: {  	_ =	shalt  }
0x70: {  	_ =	shalt  }
0x71: {  	_ =	shalt  }
0x72: {  	_ =	shalt  }
0x73: {  	_ =	shalt  }
0x74: {  	_ =	shalt  }
0x75: {  	_ =	shalt  }
0x76: {  	_ =	shalt  }
0x77: {  	_ =	shalt  }
0x78: {  	_ =	shalt  }
0x79: {  	_ =	shalt  }
0x7a: {  	_ =	shalt  }
0x7b: {  	_ =	shalt  }
0x7c: {  	_ =	shalt  }
0x7d: {  	_ =	shalt  }
0x7e: {  	_ =	shalt  }
0x7f: {  	_ =	shalt  }
0x80: {  	_ =	shalt  }
0x81: {  	_ =	shalt  }
0x82: {  	_ =	shalt  }
0x83: {  	_ =	shalt  }
0x84: {  	_ =	shalt  }
0x85: {  	_ =	shalt  }
0x86: {  	_ =	shalt  }
0x87: {  	_ =	shalt  }
.Lfunc_end0:
.L_simem_size_0:
called_computation_lowered:
.L_overlay_start_0:
0x88: {  	s2 =	sld [smem:$0x3FD9]  }
0x89: {  	s3 =	sld [smem:$0x3FFE];
	_ =	sdelay $0x1  }
0x8a: {  	s1 =	srdreg.scid  }
0x8b: {  	s0 =	sand.u32 $0x1, s1  }
0x8c: {  	s17 =	sshll.u32 s0, $0xA;
	s2 =	sadd.s32 s3, s2  }
0x8d: {  	s2 =	sadd.s32 s2, s17  }
0x8e: {  	[smem:$0x3FC5] =	sst s2  }
0x8f: {  	_ = 	snop  }
0x90: {  	s2 =	sld [smem:$0x3FC9]  }
0x91: {  	s18 =	sld [smem:$0x3FC8]  }
0x92: {  	s4 =	sld [smem:$0x3FD0];
	(tm) =	ssettm $0x1  }
0x93: {  	s5 =	sld [smem:$0x3FFB];
	_ =	sdelay $0x3  }
0x94: {  	_ =	strace s5  }
0x95: {  	s5 =	sld [smem:$0x3FFC];
	_ =	sdelay $0x3  }
0x96: {  	_ =	strace s5  }
0x97: {  	s5 =	sld [smem:$0x3FFD];
	_ =	sdelay $0x3  }
0x98: {  	_ =	strace s5  }
0x99: {  	_ =	strace $0x8FFFFFFF  }
0x9a: {  	s19 =	sld [smem:$0x3FDB];
	_ =	sdelay $0x1  }
0x9b: {  	s6 =	simm.s32 $_scs_section_size  }
0x9c: {  	s7 =	simm.s32 $_size__tile_overlayer_lowered;
	s8 =	simm.s32 $_tile_overlayer_lowered  }
0x9d: {  	s22 =	simm.s32 $0x1BFF;
	s21 =	sshll.u32 s8, $0x1;
	s5 =	sadd.s32 s6, s19  }
0x9e: {  	s9 =	simm.s32 $0x0;
	s20 =	sshll.u32 s7, $0x1;
	s7 =	sadd.s32 s21, s5  }
0x9f: {  	[timem:s9], [sflag:s22] =	dma.local [hbm:s7], s20  }
0xa0: {  	_ =	swait.ge [sflag:s22], s20  }
0xa1: {  	s6 =	ssub.s32 $0x0, s20;
	[sflag:s22] =	ssyncset.done $0x0  }
0xa2: {  	[sflag:s22] =	ssyncadd.s32 s6;
	_ =	sdelay $0x1  }
0xa3: {  	s23 =	simm.s32 $0x1B8B  }
0xa4: {  	_ =	swait.ge [sflag:s23], $0x1  }
0xa5: {  	[sflag:s23] =	ssyncset.done $0x0  }
0xa6: {  	s25 =	simm.s32 $0x1B8E;
	s24 =	sld [smem:$0x3FFE];
	[sflag:s23] =	ssyncadd.s32 $0xFFFFFFFF  }
0xa7: {  	s26 =	simm.s32 $execute0_lowered;
	[smem:$0x3FD2] =	sst s25  }
0xa8: {  	s7 =	sshll.u32 s26, $0x1;
	_ =	strace $0x80000046;
	[dreg:$0x1] =	wrdreg $0xFFFFFFFF  }
0xa9: {  	s28 =	simm.s32 $_size_execute0_lowered;
	s5 =	sadd.s32 s5, s7;
	[dreg:$0x0] =	wrdreg $0x0  }
0xaa: {  	s7 =	sshll.u32 s28, $0x1;
	[dreg:$0x2] =	wrdreg s5  }
0xab: {  	[dreg:$0x3] =	wrdreg s7  }
0xac: {  	[dreg:$0x4] =	wrdreg $0xC0  }
0xad: {  	_ =	task [dreg:s9], $0x5FFFF  }
0xae: {  	[dreg:$0x1] =	wrdreg $0xFFFFFFFF  }
0xaf: {  	[dreg:$0x0] =	wrdreg $0x60  }
0xb0: {  	[dreg:$0x2] =	wrdreg s2  }
0xb1: {  	[dreg:$0x3] =	wrdreg s24  }
0xb2: {  	[dreg:$0x4] =	wrdreg s18  }
0xb3: {  	[dreg:$0x5] =	wrdreg s4  }
0xb4: {  	[dreg:$0x6] =	wrdreg $0x9  }
0xb5: {  	_ =	task.clear_ibuf [dreg:s9], $0x7FFFF;
	_ =	strace $0x90000046  }
0xb6: {  	s29 =	simm.s32 $0x9;
	_ =	strace $0x80000048  }
0xb7: {  	_ =	swait.ge [sflag:s29], $0x1  }
0xb8: {  	[sflag:s29] =	ssyncadd.s32 $0xFFFFFFFF  }
0xb9: {  	_ =	strace $0x90000048  }
0xba: {  	_ =	sfence  }
0xbb: {  	s30 =	sld [smem:$0x0];
	_ =	sdelay $0x2  }
0xbc: {  	s31 =	sshll.u32 s1, $0xD;
	s1 =	sshrl.u32 s1, $0x2  }
0xbd: {  	s3 =	sand.u32 $0x4000, s31;
	s1 =	sadd.s32 s1, s30  }
0xbe: {  	s0 =	sor.u32 s3, s0;
	s1 =	sshll.u32 s1, $0x11  }
0xbf: {  	s0 =	sor.u32 s1, s0  }
0xc0: {  	s0 =	sadd.s32 $0x8F2B, s0  }
0xc1: {  	[sflag:s0] =	ssyncadd.remote.s32 $0x1  }
0xc2: {  	_ =	sfence.sel $0xFFFF  }
0xc3: {  	[dreg:$0x0] =	wrdreg $0xFFFFFFFF;
	(pc) =	sbr.abs _section_cstart, $3  }
0xc4: {  	[dreg:$0x1] =	wrdreg $0xFFFFFFFF  }
0xc5: {  	_ =	task.clear_ibuf [dreg:s9], $0x2FFFF;
	_ =	strace $0x9FFFFFFF  }
0xc6: {  	(tm) =	ssettm $0x7FFFFFFF  }
0xc7: {  	_ =	shalt  }
tec
execute0_lowered:
.L_overlay_start_1:
0x0: {  	(tag) =	ssettag $0x1  }
0x1: {  	s1 =	rddreg [dreg:$0x0]  }
0x2: {  	s5 =	rddreg [dreg:$0x1]  }
0x3: {  	s7 =	rddreg [dreg:$0x2]  }
0x4: {  	s3 =	rddreg [dreg:$0x3]  }
0x5: {  	s0 =	rddreg [dreg:$0x4];
	s6 =	srdreg.scid  }
0x6: {  	s4 =	simm.s32 $0x0;
	s2 =	stileid.u32;
	s11 =	simm.s32 $0x80  }
0x7: {  	s12 =	simm.s32 $0x1;
	s13 =	simm.s32 $0x4080;
	s6 =	sand.u32 $0x1, s6  }
0x8: {  	[smem:$0x7FF] =	sst s4;
	s9 =	sshll.u32 s2, $0x1;
	s5 =	sadd.s32 $0x400, s5  }
0x9: {  	s7 =	sadd.s32 $0x200000, s7;
	s8 =	ssub.s32 $0x2, s6;
	s14 =	sor.u32 s6, s9  }
0xa: {  	_ =	strace $0x80000047;
	s10 =	sshrl.u32 s8, $0x1;
	s6 =	sshll.u32 s14, $0xC  }
0xb: {  	p0 =	sne.s32 s14, $0x0;
	s14 =	simm.s32 $0x0;
	s31 =	ssub.s32 s8, s10  }
0xc: {  	s8 =	sadd.s32 $0x200000, s3;
	s10 =	simm.s32 $0x2;
	s9 =	smax.u32 s31, $0x1  }
.LBB2_1:
0xd: {  	s15 =	simm.s32 $0x0  }
.LBB2_2:
0xe: {  	s16 =	sshll.u32 s15, $0x5  }
0xf: {  	s16 =	sadd.s32 s6, s16  }
0x10: {  	s17 =	sshrl.u32 s16, $0x1  }
0x11: {  	s18 =	simm.s32 $0x0;
	s17 =	sadd.s32 s5, s17  }
0x12: {  	[tilespmem:s18], [sflag:$0x2] =	stream.linear.gather [hbm4b:s17+s18], $0x80, $0x38;
	[tilespmem:$0x5080] =	vst v63  }
0x13: {  	_ =	swait.ge [sflag:s10], $0x80  }
0x14: {  	[sflag:s10] =	ssyncset.done $0x0  }
0x15: {  	[sflag:s10] =	ssyncadd.s32 $0xFFFFFF80  }
0x16: {  	[tilespmem:s11], [sflag:$0x1] =	stream.indirect.gather [hbm4b:s1+s11], $0x80, s18, s11, $0xb8;
	[tilespmem:$0x5080] =	vst v63  }
0x17: {  	_ =	swait.ge [sflag:s12], $0x4000  }
0x18: {  	[sflag:s12] =	ssyncset.done $0x0  }
0x19: {  	s17 =	simm.s32 $0x180;
	[sflag:s12] =	ssyncadd.s32 $0xFFFFC000  }
0x1a: {  	v0 =	vld [tilespmem:s17+$0xFFFFFF80]  }
0x1b: {  	v1 =	vld [tilespmem:s17+$0xFFFFFF00];
	_ =	sdelay $0x1  }
0x1c: {  	v2 =	vld [tilespmem:s17+$0x0];
	_ =	sdelay $0x1  }
0x1d: {  	v3 =	vld [tilespmem:s17+$0x80]  }
0x1e: {  	v0 =	vadd.f32 v0, v1;
	_ =	sdelay $0x1  }
0x1f: {  	v0 =	vadd.f32 v2, v0;
	_ =	sdelay $0x1  }
0x20: {  	v0 =	vadd.f32 v3, v0  }
0x21: {  	s18 =	simm.s32 $0x0  }
0x22: {  	[tilespmem:s18+$0x4080] =	vst v0  }
0x23: {  	v0 =	vld [tilespmem:s17+$0xFFFFFF10]  }
0x24: {  	v1 =	vld [tilespmem:s17+$0xFFFFFF90];
	_ =	sdelay $0x1  }
0x25: {  	v2 =	vld [tilespmem:s17+$0x10];
	_ =	sdelay $0x1  }
0x26: {  	v3 =	vld [tilespmem:s17+$0x90]  }
0x27: {  	v0 =	vadd.f32 v1, v0;
	_ =	sdelay $0x1  }
0x28: {  	v0 =	vadd.f32 v2, v0;
	_ =	sdelay $0x1  }
0x29: {  	v0 =	vadd.f32 v3, v0;
	_ =	sdelay $0x1  }
0x2a: {  	[tilespmem:s18+$0x4090] =	vst v0  }
0x2b: {  	v0 =	vld [tilespmem:s17+$0xFFFFFF20]  }
0x2c: {  	v1 =	vld [tilespmem:s17+$0xFFFFFFA0];
	_ =	sdelay $0x1  }
0x2d: {  	v2 =	vld [tilespmem:s17+$0x20];
	_ =	sdelay $0x1  }
0x2e: {  	v3 =	vld [tilespmem:s17+$0xA0]  }
0x2f: {  	v0 =	vadd.f32 v1, v0;
	_ =	sdelay $0x1  }
0x30: {  	v0 =	vadd.f32 v2, v0;
	_ =	sdelay $0x1  }
0x31: {  	v0 =	vadd.f32 v3, v0;
	_ =	sdelay $0x1  }
0x32: {  	[tilespmem:s18+$0x40A0] =	vst v0  }
0x33: {  	v0 =	vld [tilespmem:s17+$0xFFFFFF30]  }
0x34: {  	v1 =	vld [tilespmem:s17+$0xFFFFFFB0];
	_ =	sdelay $0x1  }
0x35: {  	v2 =	vld [tilespmem:s17+$0x30];
	_ =	sdelay $0x1  }
0x36: {  	v3 =	vld [tilespmem:s17+$0xB0]  }
0x37: {  	v0 =	vadd.f32 v1, v0;
	_ =	sdelay $0x1  }
0x38: {  	v0 =	vadd.f32 v2, v0;
	_ =	sdelay $0x1  }
0x39: {  	v0 =	vadd.f32 v3, v0;
	_ =	sdelay $0x1  }
0x3a: {  	[tilespmem:s18+$0x40B0] =	vst v0  }
0x3b: {  	v0 =	vld [tilespmem:s17+$0xFFFFFF40]  }
0x3c: {  	v1 =	vld [tilespmem:s17+$0xFFFFFFC0];
	_ =	sdelay $0x1  }
0x3d: {  	v2 =	vld [tilespmem:s17+$0x40];
	_ =	sdelay $0x1  }
0x3e: {  	v3 =	vld [tilespmem:s17+$0xC0]  }
0x3f: {  	v0 =	vadd.f32 v1, v0;
	_ =	sdelay $0x1  }
0x40: {  	v0 =	vadd.f32 v2, v0;
	_ =	sdelay $0x1  }
0x41: {  	v0 =	vadd.f32 v3, v0;
	_ =	sdelay $0x1  }
0x42: {  	[tilespmem:s18+$0x40C0] =	vst v0  }
0x43: {  	v0 =	vld [tilespmem:s17+$0xFFFFFF50]  }
0x44: {  	v1 =	vld [tilespmem:s17+$0xFFFFFFD0];
	_ =	sdelay $0x1  }
0x45: {  	v2 =	vld [tilespmem:s17+$0x50];
	_ =	sdelay $0x1  }
0x46: {  	v3 =	vld [tilespmem:s17+$0xD0]  }
0x47: {  	v0 =	vadd.f32 v1, v0;
	_ =	sdelay $0x1  }
0x48: {  	v0 =	vadd.f32 v2, v0;
	_ =	sdelay $0x1  }
0x49: {  	v0 =	vadd.f32 v3, v0;
	_ =	sdelay $0x1  }
0x4a: {  	[tilespmem:s18+$0x40D0] =	vst v0  }
0x4b: {  	v0 =	vld [tilespmem:s17+$0xFFFFFF60]  }
0x4c: {  	v1 =	vld [tilespmem:s17+$0xFFFFFFE0];
	_ =	sdelay $0x1  }
0x4d: {  	v2 =	vld [tilespmem:s17+$0x60];
	_ =	sdelay $0x1  }
0x4e: {  	v3 =	vld [tilespmem:s17+$0xE0]  }
0x4f: {  	v0 =	vadd.f32 v1, v0;
	_ =	sdelay $0x1  }
0x50: {  	v0 =	vadd.f32 v2, v0;
	_ =	sdelay $0x1  }
0x51: {  	v0 =	vadd.f32 v3, v0;
	_ =	sdelay $0x1  }
0x52: {  	[tilespmem:s18+$0x40E0] =	vst v0  }
0x53: {  	v0 =	vld [tilespmem:s17+$0xFFFFFF70]  }
0x54: {  	v3 =	vld [tilespmem:s17+$0xFFFFFFF0]  }
0x55: {  	v1 =	vld [tilespmem:s17+$0x70]  }
0x56: {  	s19 =	simm.s32 $0x200;
	v2 =	vld [tilespmem:s17+$0xF0]  }
.LBB2_3:
0x57: {  	p1 =	sne.s32 s19, $0x3E00  }
0x58: {  	s17 =	sadd.s32 $0x200, s17;
	s20 =	smov.u32 s19;
	s19 =	sadd.s32 $0x200, s19  }
0x59: {  	_ = 	snop  }
0x5a: {  	v0 =	vadd.f32 v3, v0;
	_ =	sdelay $0x1  }
0x5b: {  	v0 =	vadd.f32 v1, v0;
	_ =	sdelay $0x1  }
0x5c: {  	v0 =	vadd.f32 v2, v0;
	_ =	sdelay $0x1  }
0x5d: {  	[tilespmem:s18+$0x40F0] =	vst v0  }
0x5e: {  	v0 =	vld [tilespmem:s17+$0xFFFFFF80]  }
0x5f: {  	v1 =	vld [tilespmem:s17+$0xFFFFFF00]  }
0x60: {  	v2 =	vld [tilespmem:s17+$0x0];
	_ =	sdelay $0x2  }
0x61: {  	v3 =	vld [tilespmem:s17+$0x80]  }
0x62: {  	v0 =	vadd.f32 v0, v1;
	_ =	sdelay $0x1  }
0x63: {  	v0 =	vadd.f32 v2, v0;
	_ =	sdelay $0x1  }
0x64: {  	v0 =	vadd.f32 v3, v0  }
0x65: {  	s18 =	sshra.s32 s20, $0x2  }
0x66: {  	[tilespmem:s18+$0x4080] =	vst v0  }
0x67: {  	v0 =	vld [tilespmem:s17+$0xFFFFFF10]  }
0x68: {  	v1 =	vld [tilespmem:s17+$0xFFFFFF90];
	_ =	sdelay $0x1  }
0x69: {  	v2 =	vld [tilespmem:s17+$0x10];
	_ =	sdelay $0x1  }
0x6a: {  	v3 =	vld [tilespmem:s17+$0x90]  }
0x6b: {  	v0 =	vadd.f32 v1, v0;
	_ =	sdelay $0x1  }
0x6c: {  	v0 =	vadd.f32 v2, v0;
	_ =	sdelay $0x1  }
0x6d: {  	v0 =	vadd.f32 v3, v0;
	_ =	sdelay $0x1  }
0x6e: {  	[tilespmem:s18+$0x4090] =	vst v0  }
0x6f: {  	v0 =	vld [tilespmem:s17+$0xFFFFFF20]  }
0x70: {  	v1 =	vld [tilespmem:s17+$0xFFFFFFA0];
	_ =	sdelay $0x1  }
0x71: {  	v2 =	vld [tilespmem:s17+$0x20];
	_ =	sdelay $0x1  }
0x72: {  	v3 =	vld [tilespmem:s17+$0xA0]  }
0x73: {  	v0 =	vadd.f32 v1, v0;
	_ =	sdelay $0x1  }
0x74: {  	v0 =	vadd.f32 v2, v0;
	_ =	sdelay $0x1  }
0x75: {  	v0 =	vadd.f32 v3, v0;
	_ =	sdelay $0x1  }
0x76: {  	[tilespmem:s18+$0x40A0] =	vst v0  }
0x77: {  	v0 =	vld [tilespmem:s17+$0xFFFFFF30]  }
0x78: {  	v1 =	vld [tilespmem:s17+$0xFFFFFFB0]  }
0x79: {  	v2 =	vld [tilespmem:s17+$0x30];
	_ =	sdelay $0x2  }
0x7a: {  	v3 =	vld [tilespmem:s17+$0xB0]  }
0x7b: {  	v0 =	vadd.f32 v1, v0;
	_ =	sdelay $0x1  }
0x7c: {  	v0 =	vadd.f32 v2, v0;
	_ =	sdelay $0x1  }
0x7d: {  	v0 =	vadd.f32 v3, v0;
	_ =	sdelay $0x1  }
0x7e: {  	[tilespmem:s18+$0x40B0] =	vst v0  }
0x7f: {  	v0 =	vld [tilespmem:s17+$0xFFFFFF40]  }
0x80: {  	v1 =	vld [tilespmem:s17+$0xFFFFFFC0];
	_ =	sdelay $0x1  }
0x81: {  	v2 =	vld [tilespmem:s17+$0x40];
	_ =	sdelay $0x1  }
0x82: {  	v3 =	vld [tilespmem:s17+$0xC0]  }
0x83: {  	v0 =	vadd.f32 v1, v0;
	_ =	sdelay $0x1  }
0x84: {  	v0 =	vadd.f32 v2, v0;
	_ =	sdelay $0x1  }
0x85: {  	v0 =	vadd.f32 v3, v0;
	_ =	sdelay $0x1  }
0x86: {  	[tilespmem:s18+$0x40C0] =	vst v0  }
0x87: {  	v0 =	vld [tilespmem:s17+$0xFFFFFF50]  }
0x88: {  	v1 =	vld [tilespmem:s17+$0xFFFFFFD0]  }
0x89: {  	v2 =	vld [tilespmem:s17+$0x50]  }
0x8a: {  	v3 =	vld [tilespmem:s17+$0xD0];
	_ =	sdelay $0x2  }
0x8b: {  	v0 =	vadd.f32 v1, v0;
	_ =	sdelay $0x1  }
0x8c: {  	v0 =	vadd.f32 v2, v0;
	_ =	sdelay $0x1  }
0x8d: {  	v0 =	vadd.f32 v3, v0;
	_ =	sdelay $0x1  }
0x8e: {  	[tilespmem:s18+$0x40D0] =	vst v0  }
0x8f: {  	v0 =	vld [tilespmem:s17+$0xFFFFFF60]  }
0x90: {  	v1 =	vld [tilespmem:s17+$0xFFFFFFE0]  }
0x91: {  	v2 =	vld [tilespmem:s17+$0x60]  }
0x92: {  	v3 =	vld [tilespmem:s17+$0xE0];
	_ =	sdelay $0x2  }
0x93: {  	v0 =	vadd.f32 v1, v0;
	_ =	sdelay $0x1  }
0x94: {  	v0 =	vadd.f32 v2, v0;
	_ =	sdelay $0x1  }
0x95: {  	v0 =	vadd.f32 v3, v0;
	_ =	sdelay $0x1  }
.Ltmp0:
0x96: {  	[tilespmem:s18+$0x40E0] =	vst v0;
	(pc) =	sbr.rel @p1 .LBB2_3-.Ltmp0, $4  }
0x97: {  	v0 =	vld [tilespmem:s17+$0xFFFFFF70]  }
0x98: {  	v3 =	vld [tilespmem:s17+$0xFFFFFFF0]  }
0x99: {  	v1 =	vld [tilespmem:s17+$0x70]  }
0x9a: {  	v2 =	vld [tilespmem:s17+$0xF0]  }
0x9b: {  	_ =	sdelay $0x1  }
0x9c: {  	v0 =	vadd.f32 v3, v0;
	_ =	sdelay $0x1  }
0x9d: {  	v0 =	vadd.f32 v1, v0;
	_ =	sdelay $0x1  }
0x9e: {  	s15 =	sadd.s32 $0x1, s15;
	v0 =	vadd.f32 v2, v0  }
0x9f: {  	s16 =	sshll.u32 s16, $0x4;
	p1 =	sne.s32 s15, $0x80  }
.Ltmp1:
0xa0: {  	s16 =	sadd.s32 s3, s16;
	[tilespmem:s18+$0x40F0] =	vst v0;
	(pc) =	sbr.rel @p1 .LBB2_2-.Ltmp1, $4  }
0xa1: {  	[hbm4b:s16+s4] =	stream.linear.scatter [tilespmem:s13], [sflag:$0x2], $0x1000, $0x38;
	[tilespmem:$0x5080] =	vst v63  }
0xa2: {  	_ =	swait.ge [sflag:s10], $0x1000  }
0xa3: {  	[sflag:s10] =	ssyncset.done $0x0  }
0xa4: {  	[sflag:s10] =	ssyncadd.s32 $0xFFFFF000  }
0xa5: {  	s15 =	simm.s32 @!p0 $0x0;
	s16 =	simm.s32 @!p0 $0x4080;
	s17 =	simm.s32 @!p0 $0x2  }
0xa6: {  	[tilespmem:s16], [sflag:$0x2] =	stream.linear.gather @!p0 [hbm4b:s7+s15], $0x80, $0x38;
	[tilespmem:$0x5080] =	vst v63  }
0xa7: {  	s14 =	sadd.s32 $0x1, s14;
	_ =	swait.ge @!p0 [sflag:s17], $0x80  }
0xa8: {  	p1 =	sne.s32 s14, s9;
	[sflag:s17] =	ssyncset.done @!p0 $0x0  }
.Ltmp2:
0xa9: {  	[sflag:s17] =	ssyncadd.s32 @!p0 $0xFFFFFF80;
	(pc) =	sbr.rel @p1 .LBB2_1-.Ltmp2, $4  }
0xaa: {  	[hbm4b:s8+s15] =	stream.linear.scatter @!p0 [tilespmem:s16], [sflag:$0x2], $0x80, $0x38;
	[tilespmem:$0x5080] =	vst v63  }
0xab: {  	_ =	swait.ge @!p0 [sflag:s17], $0x80  }
0xac: {  	[sflag:s17] =	ssyncset.done @!p0 $0x0  }
0xad: {  	[sflag:s17] =	ssyncadd.s32 @!p0 $0xFFFFFF80  }
0xae: {  	_ =	sfence.sel $0x180000  }
0xaf: {  	[bflag:$0x0] =	sbarrier.arrive $0xFFFF  }
0xb0: {  	p0 =	sne.s32 s2, $0x0;
	_ =	strace $0x90000047  }
0xb1: {  	s0 =	sadd.s32 @!p0 $0x100000, s0;
	[bflag:$0x2] =	sbarrier.arrive $0xFFFF  }
0xb2: {  	[sflag:s0] =	ssyncadd.tile.s32 @!p0 $0x1;
	_ =	shalt  }
.Lfunc_end2:
_tile_overlayer_lowered:
.L_overlay_start_2:
0xb3: {  	(tag) =	ssettag $0x2  }
0xb4: {  	s0 =	rddreg [dreg:$0x0];
	s2 =	stileid.u32  }
0xb5: {  	s1 =	rddreg [dreg:$0x1];
	p0 =	sne.s32 s2, $0x0  }
0xb6: {  	s3 =	rddreg [dreg:$0x2];
	[bflag:$0x3] =	sbarrier.arrive $0xFFFF;
	s2 =	simm.s32 @!p0 $0x1C02  }
0xb7: {  	[timem:s3], [sflag:s2] =	dma.local @!p0 [hbm:s0], s1  }
0xb8: {  	s0 =	simm.s32 @!p0 $0x2  }
0xb9: {  	_ =	swait.ge @!p0 [sflag:s0], s1  }
0xba: {  	s1 =	ssub.s32 @!p0 $0x0, s1;
	[sflag:s0] =	ssyncset.done @!p0 $0x0  }
0xbb: {  	[sflag:s0] =	ssyncadd.s32 @!p0 s1  }
0xbc: {  	[bflag:$0x3] =	sbarrier.arrive $0xFFFF  }
0xbd: {  	_ =	shalt  }

</sc_bundles>
